<compile_context>
chip_gen: v7x
topology: tpu7x:2x2x1
jax: 0.10.2.dev20260603
libtpu: 0.0.44.dev20260713+nightly
codegen_flags: <defaults>
</compile_context>

<pallas_src>
import functools

import jax
import jax.numpy as jnp
from jax import lax
from jax.experimental import pallas as pl
from jax.experimental.pallas import tpu as pltpu
from jax.experimental.pallas import tpu_sc as plsc

_B, _P, _T, _C = 256, 128, 365, 8
_TC_FLAT = _T * _C
_PAD_FLAT = 2944
_NC, _NS = 2, 16
_NW = _NC * _NS
_B_PER_W = _B // _NW


def _tc_body(mask_ref, xT_ref, pT_ref, dist_ref, idx_ref):
    m = mask_ref[...]
    dot = functools.partial(lax.dot_general,
                            dimension_numbers=(((1,), (0,)), ((), ())),
                            precision=lax.Precision.HIGHEST,
                            preferred_element_type=jnp.float32)
    acc = jnp.zeros((_B, _P), jnp.float32)
    a = jnp.zeros((_B,), jnp.float32)
    psq = jnp.zeros((_T, _P), jnp.float32)
    for c in range(_C):
        xc = xT_ref[c]
        pc = pT_ref[c]
        xm = xc * m
        acc = acc + dot(xm, pc)
        a = a + jnp.sum(xm * xc, axis=1)
        psq = psq + pc * pc
    m2 = dot(m, psq)
    dist = a[:, None] - 2.0 * acc + m2
    dist_ref[...] = dist
    dmin = jnp.min(dist, axis=1, keepdims=True)
    lane = lax.broadcasted_iota(jnp.int32, (_B, _P), 1)
    idx_ref[...] = jnp.min(jnp.where(dist == dmin, lane, _P), axis=1)


def _tc_distances(mask, xT, pT):
    return pl.pallas_call(
        _tc_body,
        out_shape=(
            jax.ShapeDtypeStruct((_B, _P), jnp.float32),
            jax.ShapeDtypeStruct((_B,), jnp.int32),
        ),
    )(mask, xT, pT)


def _sc_gather(table, idx):
    mesh = plsc.VectorSubcoreMesh(core_axis_name="c", subcore_axis_name="s")

    @functools.partial(
        pl.kernel,
        mesh=mesh,
        out_type=jax.ShapeDtypeStruct((_B, _PAD_FLAT), jnp.float32),
        scratch_types=[
            pltpu.VMEM((_B_PER_W,), jnp.int32),
            pltpu.VMEM((_B_PER_W, _PAD_FLAT), jnp.float32),
            pltpu.SemaphoreType.DMA,
        ],
    )
    def k(table_hbm, idx_hbm, out_hbm, idx_v, rows_v, sem):
        wid = lax.axis_index("s") * _NC + lax.axis_index("c")
        base = wid * _B_PER_W
        pltpu.sync_copy(idx_hbm.at[pl.ds(base, _B_PER_W)], idx_v)
        pltpu.async_copy(table_hbm.at[idx_v], rows_v, sem).wait()
        pltpu.sync_copy(rows_v, out_hbm.at[pl.ds(base, _B_PER_W)])

    return k(table, idx)


def kernel(input_seq, label, mask, prototypes):
    B, T, C = input_seq.shape
    xT = jnp.transpose(input_seq, (2, 0, 1))
    pT = jnp.transpose(prototypes, (2, 1, 0))
    dist, idx = _tc_distances(mask, xT, pT)
    table = jnp.pad(prototypes.reshape(_P, T * C),
                    ((0, 0), (0, _PAD_FLAT - _TC_FLAT)))
    gathered = _sc_gather(table, idx)
    output_seq = gathered[:, :_TC_FLAT].reshape(B, T, C)
    return (output_seq, input_seq, dist, idx, label.reshape(B), mask.reshape(B, T))

# --- scband reference (transcript-rebuilt; emitter-appended) ---
"""Pipeline reference for scband-ncc-59889023975763 (READ-ONLY COPY).

The authoritative reference and input builder live on the scoring server;
editing this copy changes nothing except your own understanding.
"""

import jax, jax.numpy as jnp
import numpy as np

B, P, T, C = 256, 128, 365, 8
NUM_CLASSES = 9


def setup_inputs(seed: int = 0) -> dict:
    key = jax.random.key(seed)
    k1, k2, k3, k4 = jax.random.split(key, 4)
    input_seq = jax.random.normal(k1, (B, T, C), dtype=jnp.float32)
    label = jax.random.randint(k2, (B,), 0, NUM_CLASSES, dtype=jnp.int64)
    mask = jax.random.uniform(k3, (B, T), dtype=jnp.float32)
    # learned parameter: prototypes, init_proto='random' -> randn(P, T, C)
    prototypes = jax.random.normal(k4, (P, T, C), dtype=jnp.float32)
    return {"input_seq": input_seq, "label": label, "mask": mask, "prototypes": prototypes}


def reference(input_seq, label, mask, prototypes):
    batch_size = input_seq.shape[0]
    num_prototypes = prototypes.shape[0]
    num_steps = prototypes.shape[1]
    # mask[:, None, :, None].expand(-1, P, -1, -1)
    m = mask[:, None, :, None]                      # [B,1,T,1]
    # input_seq[:, None, ...].expand(-1, P, -1, -1)
    x = input_seq[:, None, :, :]                    # [B,1,T,C]
    p = prototypes[None, :, :, :]                   # [1,P,T,C]
    # criterion = (m * (x - y)**2).sum((2,3))
    distances = jnp.sum(m * (x - p) ** 2, axis=(2, 3))   # [B,P]
    indices = jnp.argmin(distances, axis=1)               # [B]
    # torch.gather over prototype dim == take selected prototype per batch element
    output_seq = jnp.take(prototypes, indices, axis=0)    # [B,T,C]
    label_out = label.reshape(batch_size)
    mask_out = mask.reshape(batch_size, num_steps)
    return (output_seq, input_seq, distances, indices, label_out, mask_out)

if __name__ == "__main__":
    import jax
    _d = setup_inputs()
    print(jax.jit(kernel)(*tuple(_d.values())))

</pallas_src>

<mosaic_0001>
#map = affine_map<(d0, d1) -> (0, 0)>
#map1 = affine_map<(d0, d1) -> (0)>
module attributes {stable_mosaic.version = 14 : i64} {
  func.func @k(%arg0: i32, %arg1: i32, %arg2: memref<128x2944xf32, #tpu.memory_space<hbm>>, %arg3: memref<256xi32, #tpu.memory_space<hbm>>, %arg4: memref<256x2944xf32, #tpu.memory_space<hbm>>, %arg5: memref<8xi32, #tpu.memory_space<vmem>>, %arg6: memref<8x2944xf32, #tpu.memory_space<vmem>>, %arg7: memref<!tpu.dma_semaphore, #tpu.memory_space<semaphore_mem>>) attributes {dimension_semantics = [#tpu.dimension_semantics<core_parallel>, #tpu.dimension_semantics<subcore_parallel>], iteration_bounds = array<i64: 2, 16>, scalar_prefetch = 0 : i64, scratch_operands = 3 : i64, tpu.core_type = #tpu.core_type<sc_vector_subcore>, window_params = [{transform_indices = #map}, {transform_indices = #map1}, {transform_indices = #map}]} {
    %mul3A = arith.constant 2 : i32
    %mul3A_0 = arith.muli %arg1, %mul3A : i32
    %add3A = arith.addi %mul3A_0, %arg0 : i32
    %mul3A_1 = arith.constant 8 : i32
    %mul3A_2 = arith.muli %add3A, %mul3A_1 : i32
    "tpu.region"() ({
      %run_scoped3A = tpu.sem_alloc : memref<!tpu.dma_semaphore, #tpu.memory_space<semaphore_mem>>
      %dma_start3A_7 = tpu.memref_slice %arg3[%mul3A_2] : memref<256xi32, #tpu.memory_space<hbm>> -> memref<8xi32, #tpu.memory_space<hbm>>
      %dma_start3A_8 = tpu.memref_slice %arg3[%mul3A_2] : memref<256xi32, #tpu.memory_space<hbm>> -> memref<8xi32, #tpu.memory_space<hbm>>
      tpu.enqueue_dma source(%dma_start3A_8 : memref<8xi32, #tpu.memory_space<hbm>>) target(%arg5 : memref<8xi32, #tpu.memory_space<vmem>>) target_semaphore(%run_scoped3A : memref<!tpu.dma_semaphore, #tpu.memory_space<semaphore_mem>>)
      %dma_wait3A_9 = tpu.memref_slice %arg3[%mul3A_2] : memref<256xi32, #tpu.memory_space<hbm>> -> memref<8xi32, #tpu.memory_space<hbm>>
      %dma_wait3A_10 = tpu.memref_slice %arg3[%mul3A_2] : memref<256xi32, #tpu.memory_space<hbm>> -> memref<8xi32, #tpu.memory_space<hbm>>
      tpu.wait_dma2 semaphore(%run_scoped3A : memref<!tpu.dma_semaphore, #tpu.memory_space<semaphore_mem>>) src(%dma_wait3A_10 : memref<8xi32, #tpu.memory_space<hbm>>) dst(%arg5 : memref<8xi32, #tpu.memory_space<vmem>>)
      tpu.yield
    }) : () -> ()
    %dma_start3A = arith.constant 0 : i32
    %dma_start3A_3 = arith.constant 0 : i32
    %dma_start3A_4 = tpu.memref_slice %arg2[%dma_start3A, %dma_start3A_3] : memref<128x2944xf32, #tpu.memory_space<hbm>> -> memref<128x2944xf32, #tpu.memory_space<hbm>>
    tpu.enqueue_indirect_dma source(%dma_start3A_4 : memref<128x2944xf32, #tpu.memory_space<hbm>>) target(%arg6 : memref<8x2944xf32, #tpu.memory_space<vmem>>) offsets(%arg5 : memref<8xi32, #tpu.memory_space<vmem>>) semaphore(%arg7 : memref<!tpu.dma_semaphore, #tpu.memory_space<semaphore_mem>>)
    %dma_wait3A = arith.constant 0 : i32
    %dma_wait3A_5 = arith.constant 0 : i32
    %dma_wait3A_6 = tpu.memref_slice %arg2[%dma_wait3A, %dma_wait3A_5] : memref<128x2944xf32, #tpu.memory_space<hbm>> -> memref<128x2944xf32, #tpu.memory_space<hbm>>
    tpu.wait_indirect_dma semaphore(%arg7 : memref<!tpu.dma_semaphore, #tpu.memory_space<semaphore_mem>>) src(%dma_wait3A_6 : memref<128x2944xf32, #tpu.memory_space<hbm>>) dst(%arg6 : memref<8x2944xf32, #tpu.memory_space<vmem>>)
    "tpu.region"() ({
      %run_scoped3A = tpu.sem_alloc : memref<!tpu.dma_semaphore, #tpu.memory_space<semaphore_mem>>
      %dma_start3A_7 = arith.constant 0 : i32
      %dma_start3A_8 = tpu.memref_slice %arg4[%mul3A_2, %dma_start3A_7] : memref<256x2944xf32, #tpu.memory_space<hbm>> -> memref<8x2944xf32, #tpu.memory_space<hbm>>
      %dma_start3A_9 = arith.constant 0 : i32
      %dma_start3A_10 = tpu.memref_slice %arg4[%mul3A_2, %dma_start3A_9] : memref<256x2944xf32, #tpu.memory_space<hbm>> -> memref<8x2944xf32, #tpu.memory_space<hbm>>
      tpu.enqueue_dma source(%arg6 : memref<8x2944xf32, #tpu.memory_space<vmem>>) target(%dma_start3A_10 : memref<8x2944xf32, #tpu.memory_space<hbm>>) target_semaphore(%run_scoped3A : memref<!tpu.dma_semaphore, #tpu.memory_space<semaphore_mem>>)
      %dma_wait3A_11 = arith.constant 0 : i32
      %dma_wait3A_12 = tpu.memref_slice %arg4[%mul3A_2, %dma_wait3A_11] : memref<256x2944xf32, #tpu.memory_space<hbm>> -> memref<8x2944xf32, #tpu.memory_space<hbm>>
      %dma_wait3A_13 = arith.constant 0 : i32
      %dma_wait3A_14 = tpu.memref_slice %arg4[%mul3A_2, %dma_wait3A_13] : memref<256x2944xf32, #tpu.memory_space<hbm>> -> memref<8x2944xf32, #tpu.memory_space<hbm>>
      tpu.wait_dma2 semaphore(%run_scoped3A : memref<!tpu.dma_semaphore, #tpu.memory_space<semaphore_mem>>) src(%arg6 : memref<8x2944xf32, #tpu.memory_space<vmem>>) dst(%dma_wait3A_14 : memref<8x2944xf32, #tpu.memory_space<hbm>>)
      tpu.yield
    }) : () -> ()
    return
  }
}

module attributes {stable_mosaic.version = 14 : i64} {
  func.func @_tc_body(%arg0: memref<256x365xf32, #tpu.memory_space<vmem>>, %arg1: memref<8x256x365xf32, #tpu.memory_space<vmem>>, %arg2: memref<8x365x128xf32, #tpu.memory_space<vmem>>, %arg3: memref<256x128xf32, #tpu.memory_space<vmem>>, %arg4: memref<256xi32, #tpu.memory_space<vmem>>) attributes {dimension_semantics = [], scalar_prefetch = 0 : i64, scratch_operands = 0 : i64, tpu.core_type = #tpu.core_type<tc>} {
    %get3A = arith.constant 0 : index
    %get3A_0 = arith.constant 0 : index
    %get3A_1 = vector.load %arg0[%get3A, %get3A_0] : memref<256x365xf32, #tpu.memory_space<vmem>>, vector<256x365xf32>
    %broadcast_in_dim3A = arith.constant 0.000000e+00 : f32
    %broadcast_in_dim3A_2 = vector.broadcast %broadcast_in_dim3A : f32 to vector<256x128xf32>
    %broadcast_in_dim3A_3 = arith.constant 0.000000e+00 : f32
    %broadcast_in_dim3A_4 = vector.broadcast %broadcast_in_dim3A_3 : f32 to vector<256xf32>
    %broadcast_in_dim3A_5 = arith.constant 0.000000e+00 : f32
    %broadcast_in_dim3A_6 = vector.broadcast %broadcast_in_dim3A_5 : f32 to vector<365x128xf32>
    %get3A_7 = arith.constant 0 : index
    %get3A_8 = arith.constant 0 : index
    %get3A_9 = arith.constant 0 : index
    %get3A_10 = vector.load %arg1[%get3A_7, %get3A_8, %get3A_9] : memref<8x256x365xf32, #tpu.memory_space<vmem>>, vector<1x256x365xf32>
    %get3A_11 = vector.shape_cast %get3A_10 : vector<1x256x365xf32> to vector<256x365xf32>
    %get3A_12 = arith.constant 0 : index
    %get3A_13 = arith.constant 0 : index
    %get3A_14 = arith.constant 0 : index
    %get3A_15 = vector.load %arg2[%get3A_12, %get3A_13, %get3A_14] : memref<8x365x128xf32, #tpu.memory_space<vmem>>, vector<1x365x128xf32>
    %get3A_16 = vector.shape_cast %get3A_15 : vector<1x365x128xf32> to vector<365x128xf32>
    %mul3A = arith.mulf %get3A_11, %get3A_1 : vector<256x365xf32>
    %dot_general3A = arith.constant dense<0.000000e+00> : vector<256x128xf32>
    %dot_general3A_17 = tpu.matmul %mul3A, %get3A_16, %dot_general3A {dimension_numbers = #tpu.dot_dimension_numbers<[1], [0], [0], [1], [0, 0, 1, 1], [], []>, precision = #tpu.contract_precision<fp32>, transpose_lhs_hint = false} : vector<256x365xf32>, vector<365x128xf32>, vector<256x128xf32> -> vector<256x128xf32>
    %add3A = arith.addf %broadcast_in_dim3A_2, %dot_general3A_17 : vector<256x128xf32>
    %mul3A_18 = arith.mulf %mul3A, %get3A_11 : vector<256x365xf32>
    %reduce_sum3A = arith.constant dense<0.000000e+00> : vector<256xf32>
    %reduce_sum3A_19 = vector.multi_reduction <add>, %mul3A_18, %reduce_sum3A [1] : vector<256x365xf32> to vector<256xf32>
    %add3A_20 = arith.addf %broadcast_in_dim3A_4, %reduce_sum3A_19 : vector<256xf32>
    %mul3A_21 = arith.mulf %get3A_16, %get3A_16 : vector<365x128xf32>
    %add3A_22 = arith.addf %broadcast_in_dim3A_6, %mul3A_21 : vector<365x128xf32>
    %get3A_23 = arith.constant 1 : index
    %get3A_24 = arith.constant 0 : index
    %get3A_25 = arith.constant 0 : index
    %get3A_26 = vector.load %arg1[%get3A_23, %get3A_24, %get3A_25] : memref<8x256x365xf32, #tpu.memory_space<vmem>>, vector<1x256x365xf32>
    %get3A_27 = vector.shape_cast %get3A_26 : vector<1x256x365xf32> to vector<256x365xf32>
    %get3A_28 = arith.constant 1 : index
    %get3A_29 = arith.constant 0 : index
    %get3A_30 = arith.constant 0 : index
    %get3A_31 = vector.load %arg2[%get3A_28, %get3A_29, %get3A_30] : memref<8x365x128xf32, #tpu.memory_space<vmem>>, vector<1x365x128xf32>
    %get3A_32 = vector.shape_cast %get3A_31 : vector<1x365x128xf32> to vector<365x128xf32>
    %mul3A_33 = arith.mulf %get3A_27, %get3A_1 : vector<256x365xf32>
    %dot_general3A_34 = arith.constant dense<0.000000e+00> : vector<256x128xf32>
    %dot_general3A_35 = tpu.matmul %mul3A_33, %get3A_32, %dot_general3A_34 {dimension_numbers = #tpu.dot_dimension_numbers<[1], [0], [0], [1], [0, 0, 1, 1], [], []>, precision = #tpu.contract_precision<fp32>, transpose_lhs_hint = false} : vector<256x365xf32>, vector<365x128xf32>, vector<256x128xf32> -> vector<256x128xf32>
    %add3A_36 = arith.addf %add3A, %dot_general3A_35 : vector<256x128xf32>
    %mul3A_37 = arith.mulf %mul3A_33, %get3A_27 : vector<256x365xf32>
    %reduce_sum3A_38 = arith.constant dense<0.000000e+00> : vector<256xf32>
    %reduce_sum3A_39 = vector.multi_reduction <add>, %mul3A_37, %reduce_sum3A_38 [1] : vector<256x365xf32> to vector<256xf32>
    %add3A_40 = arith.addf %add3A_20, %reduce_sum3A_39 : vector<256xf32>
    %mul3A_41 = arith.mulf %get3A_32, %get3A_32 : vector<365x128xf32>
    %add3A_42 = arith.addf %add3A_22, %mul3A_41 : vector<365x128xf32>
    %get3A_43 = arith.constant 2 : index
    %get3A_44 = arith.constant 0 : index
    %get3A_45 = arith.constant 0 : index
    %get3A_46 = vector.load %arg1[%get3A_43, %get3A_44, %get3A_45] : memref<8x256x365xf32, #tpu.memory_space<vmem>>, vector<1x256x365xf32>
    %get3A_47 = vector.shape_cast %get3A_46 : vector<1x256x365xf32> to vector<256x365xf32>
    %get3A_48 = arith.constant 2 : index
    %get3A_49 = arith.constant 0 : index
    %get3A_50 = arith.constant 0 : index
    %get3A_51 = vector.load %arg2[%get3A_48, %get3A_49, %get3A_50] : memref<8x365x128xf32, #tpu.memory_space<vmem>>, vector<1x365x128xf32>
    %get3A_52 = vector.shape_cast %get3A_51 : vector<1x365x128xf32> to vector<365x128xf32>
    %mul3A_53 = arith.mulf %get3A_47, %get3A_1 : vector<256x365xf32>
    %dot_general3A_54 = arith.constant dense<0.000000e+00> : vector<256x128xf32>
    %dot_general3A_55 = tpu.matmul %mul3A_53, %get3A_52, %dot_general3A_54 {dimension_numbers = #tpu.dot_dimension_numbers<[1], [0], [0], [1], [0, 0, 1, 1], [], []>, precision = #tpu.contract_precision<fp32>, transpose_lhs_hint = false} : vector<256x365xf32>, vector<365x128xf32>, vector<256x128xf32> -> vector<256x128xf32>
    %add3A_56 = arith.addf %add3A_36, %dot_general3A_55 : vector<256x128xf32>
    %mul3A_57 = arith.mulf %mul3A_53, %get3A_47 : vector<256x365xf32>
    %reduce_sum3A_58 = arith.constant dense<0.000000e+00> : vector<256xf32>
    %reduce_sum3A_59 = vector.multi_reduction <add>, %mul3A_57, %reduce_sum3A_58 [1] : vector<256x365xf32> to vector<256xf32>
    %add3A_60 = arith.addf %add3A_40, %reduce_sum3A_59 : vector<256xf32>
    %mul3A_61 = arith.mulf %get3A_52, %get3A_52 : vector<365x128xf32>
    %add3A_62 = arith.addf %add3A_42, %mul3A_61 : vector<365x128xf32>
    %get3A_63 = arith.constant 3 : index
    %get3A_64 = arith.constant 0 : index
    %get3A_65 = arith.constant 0 : index
    %get3A_66 = vector.load %arg1[%get3A_63, %get3A_64, %get3A_65] : memref<8x256x365xf32, #tpu.memory_space<vmem>>, vector<1x256x365xf32>
    %get3A_67 = vector.shape_cast %get3A_66 : vector<1x256x365xf32> to vector<256x365xf32>
    %get3A_68 = arith.constant 3 : index
    %get3A_69 = arith.constant 0 : index
    %get3A_70 = arith.constant 0 : index
    %get3A_71 = vector.load %arg2[%get3A_68, %get3A_69, %get3A_70] : memref<8x365x128xf32, #tpu.memory_space<vmem>>, vector<1x365x128xf32>
    %get3A_72 = vector.shape_cast %get3A_71 : vector<1x365x128xf32> to vector<365x128xf32>
    %mul3A_73 = arith.mulf %get3A_67, %get3A_1 : vector<256x365xf32>
    %dot_general3A_74 = arith.constant dense<0.000000e+00> : vector<256x128xf32>
    %dot_general3A_75 = tpu.matmul %mul3A_73, %get3A_72, %dot_general3A_74 {dimension_numbers = #tpu.dot_dimension_numbers<[1], [0], [0], [1], [0, 0, 1, 1], [], []>, precision = #tpu.contract_precision<fp32>, transpose_lhs_hint = false} : vector<256x365xf32>, vector<365x128xf32>, vector<256x128xf32> -> vector<256x128xf32>
    %add3A_76 = arith.addf %add3A_56, %dot_general3A_75 : vector<256x128xf32>
    %mul3A_77 = arith.mulf %mul3A_73, %get3A_67 : vector<256x365xf32>
    %reduce_sum3A_78 = arith.constant dense<0.000000e+00> : vector<256xf32>
    %reduce_sum3A_79 = vector.multi_reduction <add>, %mul3A_77, %reduce_sum3A_78 [1] : vector<256x365xf32> to vector<256xf32>
    %add3A_80 = arith.addf %add3A_60, %reduce_sum3A_79 : vector<256xf32>
    %mul3A_81 = arith.mulf %get3A_72, %get3A_72 : vector<365x128xf32>
    %add3A_82 = arith.addf %add3A_62, %mul3A_81 : vector<365x128xf32>
    %get3A_83 = arith.constant 4 : index
    %get3A_84 = arith.constant 0 : index
    %get3A_85 = arith.constant 0 : index
    %get3A_86 = vector.load %arg1[%get3A_83, %get3A_84, %get3A_85] : memref<8x256x365xf32, #tpu.memory_space<vmem>>, vector<1x256x365xf32>
    %get3A_87 = vector.shape_cast %get3A_86 : vector<1x256x365xf32> to vector<256x365xf32>
    %get3A_88 = arith.constant 4 : index
    %get3A_89 = arith.constant 0 : index
    %get3A_90 = arith.constant 0 : index
    %get3A_91 = vector.load %arg2[%get3A_88, %get3A_89, %get3A_90] : memref<8x365x128xf32, #tpu.memory_space<vmem>>, vector<1x365x128xf32>
    %get3A_92 = vector.shape_cast %get3A_91 : vector<1x365x128xf32> to vector<365x128xf32>
    %mul3A_93 = arith.mulf %get3A_87, %get3A_1 : vector<256x365xf32>
    %dot_general3A_94 = arith.constant dense<0.000000e+00> : vector<256x128xf32>
    %dot_general3A_95 = tpu.matmul %mul3A_93, %get3A_92, %dot_general3A_94 {dimension_numbers = #tpu.dot_dimension_numbers<[1], [0], [0], [1], [0, 0, 1, 1], [], []>, precision = #tpu.contract_precision<fp32>, transpose_lhs_hint = false} : vector<256x365xf32>, vector<365x128xf32>, vector<256x128xf32> -> vector<256x128xf32>
    %add3A_96 = arith.addf %add3A_76, %dot_general3A_95 : vector<256x128xf32>
    %mul3A_97 = arith.mulf %mul3A_93, %get3A_87 : vector<256x365xf32>
    %reduce_sum3A_98 = arith.constant dense<0.000000e+00> : vector<256xf32>
    %reduce_sum3A_99 = vector.multi_reduction <add>, %mul3A_97, %reduce_sum3A_98 [1] : vector<256x365xf32> to vector<256xf32>
    %add3A_100 = arith.addf %add3A_80, %reduce_sum3A_99 : vector<256xf32>
    %mul3A_101 = arith.mulf %get3A_92, %get3A_92 : vector<365x128xf32>
    %add3A_102 = arith.addf %add3A_82, %mul3A_101 : vector<365x128xf32>
    %get3A_103 = arith.constant 5 : index
    %get3A_104 = arith.constant 0 : index
    %get3A_105 = arith.constant 0 : index
    %get3A_106 = vector.load %arg1[%get3A_103, %get3A_104, %get3A_105] : memref<8x256x365xf32, #tpu.memory_space<vmem>>, vector<1x256x365xf32>
    %get3A_107 = vector.shape_cast %get3A_106 : vector<1x256x365xf32> to vector<256x365xf32>
    %get3A_108 = arith.constant 5 : index
    %get3A_109 = arith.constant 0 : index
    %get3A_110 = arith.constant 0 : index
    %get3A_111 = vector.load %arg2[%get3A_108, %get3A_109, %get3A_110] : memref<8x365x128xf32, #tpu.memory_space<vmem>>, vector<1x365x128xf32>
    %get3A_112 = vector.shape_cast %get3A_111 : vector<1x365x128xf32> to vector<365x128xf32>
    %mul3A_113 = arith.mulf %get3A_107, %get3A_1 : vector<256x365xf32>
    %dot_general3A_114 = arith.constant dense<0.000000e+00> : vector<256x128xf32>
    %dot_general3A_115 = tpu.matmul %mul3A_113, %get3A_112, %dot_general3A_114 {dimension_numbers = #tpu.dot_dimension_numbers<[1], [0], [0], [1], [0, 0, 1, 1], [], []>, precision = #tpu.contract_precision<fp32>, transpose_lhs_hint = false} : vector<256x365xf32>, vector<365x128xf32>, vector<256x128xf32> -> vector<256x128xf32>
    %add3A_116 = arith.addf %add3A_96, %dot_general3A_115 : vector<256x128xf32>
    %mul3A_117 = arith.mulf %mul3A_113, %get3A_107 : vector<256x365xf32>
    %reduce_sum3A_118 = arith.constant dense<0.000000e+00> : vector<256xf32>
    %reduce_sum3A_119 = vector.multi_reduction <add>, %mul3A_117, %reduce_sum3A_118 [1] : vector<256x365xf32> to vector<256xf32>
    %add3A_120 = arith.addf %add3A_100, %reduce_sum3A_119 : vector<256xf32>
    %mul3A_121 = arith.mulf %get3A_112, %get3A_112 : vector<365x128xf32>
    %add3A_122 = arith.addf %add3A_102, %mul3A_121 : vector<365x128xf32>
    %get3A_123 = arith.constant 6 : index
    %get3A_124 = arith.constant 0 : index
    %get3A_125 = arith.constant 0 : index
    %get3A_126 = vector.load %arg1[%get3A_123, %get3A_124, %get3A_125] : memref<8x256x365xf32, #tpu.memory_space<vmem>>, vector<1x256x365xf32>
    %get3A_127 = vector.shape_cast %get3A_126 : vector<1x256x365xf32> to vector<256x365xf32>
    %get3A_128 = arith.constant 6 : index
    %get3A_129 = arith.constant 0 : index
    %get3A_130 = arith.constant 0 : index
    %get3A_131 = vector.load %arg2[%get3A_128, %get3A_129, %get3A_130] : memref<8x365x128xf32, #tpu.memory_space<vmem>>, vector<1x365x128xf32>
    %get3A_132 = vector.shape_cast %get3A_131 : vector<1x365x128xf32> to vector<365x128xf32>
    %mul3A_133 = arith.mulf %get3A_127, %get3A_1 : vector<256x365xf32>
    %dot_general3A_134 = arith.constant dense<0.000000e+00> : vector<256x128xf32>
    %dot_general3A_135 = tpu.matmul %mul3A_133, %get3A_132, %dot_general3A_134 {dimension_numbers = #tpu.dot_dimension_numbers<[1], [0], [0], [1], [0, 0, 1, 1], [], []>, precision = #tpu.contract_precision<fp32>, transpose_lhs_hint = false} : vector<256x365xf32>, vector<365x128xf32>, vector<256x128xf32> -> vector<256x128xf32>
    %add3A_136 = arith.addf %add3A_116, %dot_general3A_135 : vector<256x128xf32>
    %mul3A_137 = arith.mulf %mul3A_133, %get3A_127 : vector<256x365xf32>
    %reduce_sum3A_138 = arith.constant dense<0.000000e+00> : vector<256xf32>
    %reduce_sum3A_139 = vector.multi_reduction <add>, %mul3A_137, %reduce_sum3A_138 [1] : vector<256x365xf32> to vector<256xf32>
    %add3A_140 = arith.addf %add3A_120, %reduce_sum3A_139 : vector<256xf32>
    %mul3A_141 = arith.mulf %get3A_132, %get3A_132 : vector<365x128xf32>
    %add3A_142 = arith.addf %add3A_122, %mul3A_141 : vector<365x128xf32>
    %get3A_143 = arith.constant 7 : index
    %get3A_144 = arith.constant 0 : index
    %get3A_145 = arith.constant 0 : index
    %get3A_146 = vector.load %arg1[%get3A_143, %get3A_144, %get3A_145] : memref<8x256x365xf32, #tpu.memory_space<vmem>>, vector<1x256x365xf32>
    %get3A_147 = vector.shape_cast %get3A_146 : vector<1x256x365xf32> to vector<256x365xf32>
    %get3A_148 = arith.constant 7 : index
    %get3A_149 = arith.constant 0 : index
    %get3A_150 = arith.constant 0 : index
    %get3A_151 = vector.load %arg2[%get3A_148, %get3A_149, %get3A_150] : memref<8x365x128xf32, #tpu.memory_space<vmem>>, vector<1x365x128xf32>
    %get3A_152 = vector.shape_cast %get3A_151 : vector<1x365x128xf32> to vector<365x128xf32>
    %mul3A_153 = arith.mulf %get3A_147, %get3A_1 : vector<256x365xf32>
    %dot_general3A_154 = arith.constant dense<0.000000e+00> : vector<256x128xf32>
    %dot_general3A_155 = tpu.matmul %mul3A_153, %get3A_152, %dot_general3A_154 {dimension_numbers = #tpu.dot_dimension_numbers<[1], [0], [0], [1], [0, 0, 1, 1], [], []>, precision = #tpu.contract_precision<fp32>, transpose_lhs_hint = false} : vector<256x365xf32>, vector<365x128xf32>, vector<256x128xf32> -> vector<256x128xf32>
    %add3A_156 = arith.addf %add3A_136, %dot_general3A_155 : vector<256x128xf32>
    %mul3A_157 = arith.mulf %mul3A_153, %get3A_147 : vector<256x365xf32>
    %reduce_sum3A_158 = arith.constant dense<0.000000e+00> : vector<256xf32>
    %reduce_sum3A_159 = vector.multi_reduction <add>, %mul3A_157, %reduce_sum3A_158 [1] : vector<256x365xf32> to vector<256xf32>
    %add3A_160 = arith.addf %add3A_140, %reduce_sum3A_159 : vector<256xf32>
    %mul3A_161 = arith.mulf %get3A_152, %get3A_152 : vector<365x128xf32>
    %add3A_162 = arith.addf %add3A_142, %mul3A_161 : vector<365x128xf32>
    %dot_general3A_163 = arith.constant dense<0.000000e+00> : vector<256x128xf32>
    %dot_general3A_164 = tpu.matmul %get3A_1, %add3A_162, %dot_general3A_163 {dimension_numbers = #tpu.dot_dimension_numbers<[1], [0], [0], [1], [0, 0, 1, 1], [], []>, precision = #tpu.contract_precision<fp32>, transpose_lhs_hint = false} : vector<256x365xf32>, vector<365x128xf32>, vector<256x128xf32> -> vector<256x128xf32>
    %broadcast_in_dim3A_165 = vector.shape_cast %add3A_160 : vector<256xf32> to vector<256x1xf32>
    %mul3A_166 = arith.constant 2.000000e+00 : f32
    %mul3A_167 = vector.broadcast %mul3A_166 : f32 to vector<256x128xf32>
    %mul3A_168 = arith.mulf %mul3A_167, %add3A_156 : vector<256x128xf32>
    %sub3A = vector.broadcast %broadcast_in_dim3A_165 : vector<256x1xf32> to vector<256x128xf32>
    %sub3A_169 = arith.subf %sub3A, %mul3A_168 : vector<256x128xf32>
    %add3A_170 = arith.addf %sub3A_169, %dot_general3A_164 : vector<256x128xf32>
    %swap3A = arith.constant 0 : index
    %swap3A_171 = arith.constant 0 : index
    %swap3A_172 = vector.load %arg3[%swap3A, %swap3A_171] : memref<256x128xf32, #tpu.memory_space<vmem>>, vector<256x128xf32>
    tpu.vector_store %arg3[%swap3A, %swap3A_171], %add3A_170 {strides = array<i32>} : memref<256x128xf32, #tpu.memory_space<vmem>>, vector<256x128xf32>,
    %reduce_min3A = arith.constant dense<0x7F800000> : vector<256xf32>
    %reduce_min3A_173 = vector.multi_reduction <minimumf>, %add3A_170, %reduce_min3A [1] : vector<256x128xf32> to vector<256xf32>
    %broadcast_in_dim3A_174 = vector.shape_cast %reduce_min3A_173 : vector<256xf32> to vector<256x1xf32>
    %iota3A = tpu.iota {dimensions = array<i32: 1>} : vector<256x128xi32>
    %eq3A = vector.broadcast %broadcast_in_dim3A_174 : vector<256x1xf32> to vector<256x128xf32>
    %eq3A_175 = arith.cmpf oeq, %add3A_170, %eq3A : vector<256x128xf32>
    %jit3A = arith.constant 128 : i32
    %broadcast_in_dim3A_176 = vector.broadcast %jit3A : i32 to vector<256x128xi32>
    %select_n3A = arith.select %eq3A_175, %iota3A, %broadcast_in_dim3A_176 : vector<256x128xi1>, vector<256x128xi32>
    %reduce_min3A_177 = arith.constant dense<2147483647> : vector<256xi32>
    %reduce_min3A_178 = vector.multi_reduction <minsi>, %select_n3A, %reduce_min3A_177 [1] : vector<256x128xi32> to vector<256xi32>
    %swap3A_179 = arith.constant 0 : index
    %swap3A_180 = vector.load %arg4[%swap3A_179] : memref<256xi32, #tpu.memory_space<vmem>>, vector<256xi32>
    tpu.vector_store %arg4[%swap3A_179], %reduce_min3A_178 {strides = array<i32>} : memref<256xi32, #tpu.memory_space<vmem>>, vector<256xi32>,
    return
  }
}

</mosaic_0001>

<sc_bundles>
// kernel: kernel.4.cloned.1.call-start
scs
__scs_entry_jumppad:
0x0: {  	(pc) =	sbr.rel $0x88, $3  }
0x1: {  	(tag) =	ssettag $0x0;
	lr =	simm.s32 $0x1  }
0x2: {  	[smem:$0x3F9D] =	sst lr;
	_ =	strace $0xD0000000  }
0x3: {  	_ = 	snop  }
0x4: {  	_ = 	snop  }
0x5: {  	_ = 	snop  }
0x6: {  	_ = 	snop  }
0x7: {  	_ = 	snop  }
__scs_overlays_trampoline_lowered:
0x8: {  	[smem:$0x3FAC] =	sst s0  }
0x9: {  	[smem:$0x3FAD] =	sst s1  }
0xa: {  	[smem:$0x3FAE] =	sst s2  }
0xb: {  	[smem:$0x3FAF] =	sst s3  }
0xc: {  	[smem:$0x3FB0] =	sst s4  }
0xd: {  	[smem:$0x3FB1] =	sst s5  }
0xe: {  	[smem:$0x3FB2] =	sst s6  }
0xf: {  	[smem:$0x3FB3] =	sst s7  }
0x10: {  	[smem:$0x3FB4] =	sst s8  }
0x11: {  	[smem:$0x3FB5] =	sst s9;
	s0 =	simm.s32 @!p0 $0x0  }
0x12: {  	s1 =	sld [smem:$0x3F9B];
	s0 =	simm.s32 @p0 $0x1  }
0x13: {  	[smem:$0x3FB6] =	sst s0;
	s0 =	simm.s32 @!p1 $0x0  }
0x14: {  	s2 =	sld [smem:$0x3F9A];
	s0 =	simm.s32 @p1 $0x1  }
0x15: {  	[smem:$0x3FB7] =	sst s0;
	s0 =	simm.s32 @!p2 $0x0  }
0x16: {  	s3 =	sld [smem:$0x3FDB];
	s0 =	simm.s32 @p2 $0x1  }
0x17: {  	s4 =	simm.s32 $0x1BF5;
	[smem:$0x3FB9] =	sst s0  }
0x18: {  	s0 =	sld [smem:$0x3F9C];
	_ =	swait.ge [sflag:s4], $0x0  }
0x19: {  	s7 =	sld [smem:$0x3F9D]  }
0x1a: {  	s8 =	sadd.s32 $0xFFFFE003, lr  }
0x1b: {  	s9 =	sadd.s32 $0xFFFFFEF7, lr;
	s5 =	simm.s32 $0xFFFFFFFF;
	p2 =	slt.u32 s8, $0xFFFFF086  }
0x1c: {  	p1 =	slt.u32 s9, $0xF7A;
	s5 =	simm.s32 @!p2 $0x0  }
0x1d: {  	s5 =	simm.s32 @p1 $0x1;
	p0 =	seq.s32 s7, s2  }
0x1e: {  	s7 =	smul.u32 @!p0 $0xF7A, s2;
	p2 =	seq.s32 @!p0 s5, $0x0  }
0x1f: {  	s9 =	smul.u32 $0xF7A, s1;
	s8 =	simm.s32 @!p0 $0x1BF5;
	p2 =	por !p2, p0  }
0x20: {  	[sflag:s8] =	ssyncset.s32 @!p0 $0xFFFFF086;
	s6 =	sadd.s32 @!p0 s3, s7;
	s7 =	simm.s32 @!p0 $0x108  }
0x21: {  	s3 =	sadd.s32 s3, s9;
	s6 =	sadd.s32 @!p0 $0x88, s6;
	s7 =	simm.s32 @p2 $0x1082  }
0x22: {  	[simem:s7], [sflag:s8] =	dma.local @!p0 [hbm:s6], $0xF7A  }
0x23: {  	s9 =	sor.u32 $0xD0000000, s2;
	s6 =	simm.s32 $0x108;
	_ =	swait.ge @!p0 [sflag:s8], $0x0  }
0x24: {  	s3 =	sadd.s32 $0x88, s3;
	s6 =	simm.s32 @!p1 $0x1082;
	[sflag:s4] =	ssyncset.s32 $0xFFFFF086  }
0x25: {  	[simem:s6], [sflag:s4] =	dma.local [hbm:s3], $0xF7A  }
0x26: {  	[smem:$0x3F9D] =	sst s1;
	(tag) =	ssettag s2;
	_ =	strace s9  }
0x27: {  	s1 =	sld [smem:$0x3FAD]  }
0x28: {  	s2 =	sld [smem:$0x3FAE]  }
0x29: {  	s4 =	sld [smem:$0x3FB0]  }
0x2a: {  	p0 =	seq.s32 s5, $0x0;
	s5 =	sld [smem:$0x3FB1]  }
0x2b: {  	s6 =	sld [smem:$0x3FB2]  }
0x2c: {  	s7 =	sld [smem:$0x3FB3]  }
0x2d: {  	s3 =	simm.s32 $0x108;
	s8 =	sld [smem:$0x3FB4]  }
0x2e: {  	s3 =	simm.s32 @!p0 $0x1082;
	s9 =	sld [smem:$0x3FB5]  }
0x2f: {  	lr =	sadd.s32 s0, s3;
	s0 =	sld [smem:$0x3FAC]  }
0x30: {  	s3 =	sld [smem:$0x3FAF]  }
0x31: {  	[smem:$0x3FB8] =	sst s10  }
0x32: {  	s10 =	sld [smem:$0x3FB6];
	_ =	sdelay $0x3  }
0x33: {  	p0 =	seq.s32 s10, $0x1;
	s10 =	sld [smem:$0x3FB8];
	_ =	sdelay $0x3  }
0x34: {  	[smem:$0x3FB8] =	sst s10  }
0x35: {  	s10 =	sld [smem:$0x3FB7];
	_ =	sdelay $0x3  }
0x36: {  	p1 =	seq.s32 s10, $0x1;
	s10 =	sld [smem:$0x3FB8];
	_ =	sdelay $0x3  }
0x37: {  	[smem:$0x3FB8] =	sst s10  }
0x38: {  	s10 =	sld [smem:$0x3FB9]  }
0x39: {  	_ = 	snop;
	(pc) =	sbr.ind lr, $3  }
0x3a: {  	_ = 	snop  }
0x3b: {  	_ = 	snop  }
0x3c: {  	p2 =	seq.s32 s10, $0x1;
	s10 =	sld [smem:$0x3FB8]  }
0x3d: {  	_ =	shalt  }
0x3e: {  	_ =	shalt  }
0x3f: {  	_ =	shalt  }
0x40: {  	_ =	shalt  }
0x41: {  	_ =	shalt  }
0x42: {  	_ =	shalt  }
0x43: {  	_ =	shalt  }
0x44: {  	_ =	shalt  }
0x45: {  	_ =	shalt  }
0x46: {  	_ =	shalt  }
0x47: {  	_ =	shalt  }
0x48: {  	_ =	shalt  }
0x49: {  	_ =	shalt  }
0x4a: {  	_ =	shalt  }
0x4b: {  	_ =	shalt  }
0x4c: {  	_ =	shalt  }
0x4d: {  	_ =	shalt  }
0x4e: {  	_ =	shalt  }
0x4f: {  	_ =	shalt  }
0x50: {  	_ =	shalt  }
0x51: {  	_ =	shalt  }
0x52: {  	_ =	shalt  }
0x53: {  	_ =	shalt  }
0x54: {  	_ =	shalt  }
0x55: {  	_ =	shalt  }
0x56: {  	_ =	shalt  }
0x57: {  	_ =	shalt  }
0x58: {  	_ =	shalt  }
0x59: {  	_ =	shalt  }
0x5a: {  	_ =	shalt  }
0x5b: {  	_ =	shalt  }
0x5c: {  	_ =	shalt  }
0x5d: {  	_ =	shalt  }
0x5e: {  	_ =	shalt  }
0x5f: {  	_ =	shalt  }
0x60: {  	_ =	shalt  }
0x61: {  	_ =	shalt  }
0x62: {  	_ =	shalt  }
0x63: {  	_ =	shalt  }
0x64: {  	_ =	shalt  }
0x65: {  	_ =	shalt  }
0x66: {  	_ =	shalt  }
0x67: {  	_ =	shalt  }
0x68: {  	_ =	shalt  }
0x69: {  	_ =	shalt  }
0x6a: {  	_ =	shalt  }
0x6b: {  	_ =	shalt  }
0x6c: {  	_ =	shalt  }
0x6d: {  	_ =	shalt  }
0x6e: {  	_ =	shalt  }
0x6f: {  	_ =	shalt  }
0x70: {  	_ =	shalt  }
0x71: {  	_ =	shalt  }
0x72: {  	_ =	shalt  }
0x73: {  	_ =	shalt  }
0x74: {  	_ =	shalt  }
0x75: {  	_ =	shalt  }
0x76: {  	_ =	shalt  }
0x77: {  	_ =	shalt  }
0x78: {  	_ =	shalt  }
0x79: {  	_ =	shalt  }
0x7a: {  	_ =	shalt  }
0x7b: {  	_ =	shalt  }
0x7c: {  	_ =	shalt  }
0x7d: {  	_ =	shalt  }
0x7e: {  	_ =	shalt  }
0x7f: {  	_ =	shalt  }
0x80: {  	_ =	shalt  }
0x81: {  	_ =	shalt  }
0x82: {  	_ =	shalt  }
0x83: {  	_ =	shalt  }
0x84: {  	_ =	shalt  }
0x85: {  	_ =	shalt  }
0x86: {  	_ =	shalt  }
0x87: {  	_ =	shalt  }
.Lfunc_end0:
.L_simem_size_0:
called_computation_lowered:
.L_overlay_start_0:
0x88: {  	s2 =	sld [smem:$0x3FD9]  }
0x89: {  	s3 =	sld [smem:$0x3FFE];
	_ =	sdelay $0x1  }
0x8a: {  	s1 =	srdreg.scid  }
0x8b: {  	s0 =	sand.u32 $0x1, s1  }
0x8c: {  	s14 =	sshll.u32 s0, $0xA;
	s2 =	sadd.s32 s3, s2  }
0x8d: {  	s2 =	sadd.s32 s2, s14  }
0x8e: {  	[smem:$0x3FC4] =	sst s2  }
0x8f: {  	_ = 	snop  }
0x90: {  	s2 =	sld [smem:$0x3FD0];
	_ =	sdelay $0x2  }
0x91: {  	s15 =	simm.s32 $0xA;
	s4 =	simm.s32 $0x10  }
0x92: {  	[smem:s4], [sflag:s15] =	dma.local [hbm:s2], $0x1  }
0x93: {  	_ =	swait.eq [sflag:s15], $0x1  }
0x94: {  	[sflag:s15] =	ssyncset.done $0x0  }
0x95: {  	s16 =	sld [smem:$0x11];
	[sflag:s15] =	ssyncadd.s32 $0xFFFFFFFF  }
0x96: {  	s17 =	sld [smem:$0x13];
	(tm) =	ssettm $0x1  }
0x97: {  	s18 =	sld [smem:$0x3FFB];
	_ =	sdelay $0x3  }
0x98: {  	_ =	strace s18  }
0x99: {  	s4 =	sld [smem:$0x3FFC];
	_ =	sdelay $0x3  }
0x9a: {  	_ =	strace s4  }
0x9b: {  	s4 =	sld [smem:$0x3FFD];
	_ =	sdelay $0x3  }
0x9c: {  	_ =	strace s4  }
0x9d: {  	_ =	strace $0x8FFFFFFF  }
0x9e: {  	s19 =	sld [smem:$0x3FDB];
	_ =	sdelay $0x1  }
0x9f: {  	s5 =	simm.s32 $_scs_section_size  }
0xa0: {  	s6 =	simm.s32 $_size__tile_overlayer_lowered;
	s7 =	simm.s32 $_tile_overlayer_lowered  }
0xa1: {  	s22 =	simm.s32 $0x1BFF;
	s21 =	sshll.u32 s7, $0x1;
	s4 =	sadd.s32 s5, s19  }
0xa2: {  	s8 =	simm.s32 $0x0;
	s20 =	sshll.u32 s6, $0x1;
	s6 =	sadd.s32 s21, s4  }
0xa3: {  	[timem:s8], [sflag:s22] =	dma.local [hbm:s6], s20  }
0xa4: {  	_ =	swait.ge [sflag:s22], s20  }
0xa5: {  	s5 =	ssub.s32 $0x0, s20;
	[sflag:s22] =	ssyncset.done $0x0  }
0xa6: {  	[sflag:s22] =	ssyncadd.s32 s5;
	_ =	sdelay $0x1  }
0xa7: {  	s23 =	simm.s32 $0x1B8B  }
0xa8: {  	_ =	swait.ge [sflag:s23], $0x1  }
0xa9: {  	[sflag:s23] =	ssyncset.done $0x0  }
0xaa: {  	s25 =	simm.s32 $0x1B8E;
	s24 =	sld [smem:$0x3FFE];
	[sflag:s23] =	ssyncadd.s32 $0xFFFFFFFF  }
0xab: {  	s26 =	simm.s32 $execute0_lowered;
	[smem:$0x3FD2] =	sst s25  }
0xac: {  	s6 =	sshll.u32 s26, $0x1;
	_ =	strace $0x80000046;
	[dreg:$0x1] =	wrdreg $0xFFFFFFFF  }
0xad: {  	s28 =	simm.s32 $_size_execute0_lowered;
	s4 =	sadd.s32 s4, s6;
	[dreg:$0x0] =	wrdreg $0x0  }
0xae: {  	s6 =	sshll.u32 s28, $0x1;
	[dreg:$0x2] =	wrdreg s4  }
0xaf: {  	[dreg:$0x3] =	wrdreg s6  }
0xb0: {  	[dreg:$0x4] =	wrdreg $0xC0  }
0xb1: {  	_ =	task [dreg:s8], $0x5FFFF  }
0xb2: {  	[dreg:$0x1] =	wrdreg $0xFFFFFFFF  }
0xb3: {  	[dreg:$0x0] =	wrdreg $0x60  }
0xb4: {  	[dreg:$0x2] =	wrdreg s16  }
0xb5: {  	[dreg:$0x3] =	wrdreg s17  }
0xb6: {  	[dreg:$0x4] =	wrdreg s24  }
0xb7: {  	[dreg:$0x5] =	wrdreg $0x9  }
0xb8: {  	_ =	task.clear_ibuf [dreg:s8], $0x6FFFF;
	_ =	strace $0x90000046  }
0xb9: {  	s29 =	simm.s32 $0x9;
	_ =	strace $0x80000048  }
0xba: {  	_ =	swait.ge [sflag:s29], $0x1  }
0xbb: {  	[sflag:s29] =	ssyncadd.s32 $0xFFFFFFFF  }
0xbc: {  	_ =	strace $0x90000048  }
0xbd: {  	_ =	sfence  }
0xbe: {  	s30 =	sld [smem:$0x0];
	_ =	sdelay $0x2  }
0xbf: {  	s31 =	sshll.u32 s1, $0xD;
	s1 =	sshrl.u32 s1, $0x2  }
0xc0: {  	s3 =	sand.u32 $0x4000, s31;
	s1 =	sadd.s32 s1, s30  }
0xc1: {  	s0 =	sor.u32 s3, s0;
	s1 =	sshll.u32 s1, $0x11  }
0xc2: {  	s0 =	sor.u32 s1, s0  }
0xc3: {  	s0 =	sadd.s32 $0x8F2B, s0  }
0xc4: {  	[sflag:s0] =	ssyncadd.remote.s32 $0x1  }
0xc5: {  	_ =	sfence.sel $0xFFFF  }
0xc6: {  	[dreg:$0x0] =	wrdreg $0xFFFFFFFF;
	(pc) =	sbr.abs _section_cstart, $3  }
0xc7: {  	[dreg:$0x1] =	wrdreg $0xFFFFFFFF  }
0xc8: {  	_ =	task.clear_ibuf [dreg:s8], $0x2FFFF;
	_ =	strace $0x9FFFFFFF  }
0xc9: {  	(tm) =	ssettm $0x7FFFFFFF  }
tec
execute0_lowered:
.L_overlay_start_1:
0x0: {  	(tag) =	ssettag $0x1  }
0x1: {  	s3 =	rddreg [dreg:$0x0]  }
0x2: {  	s1 =	rddreg [dreg:$0x1];
	s2 =	srdreg.scid  }
0x3: {  	s0 =	stileid.u32;
	s4 =	rddreg [dreg:$0x2]  }
0x4: {  	s18 =	simm.s32 $0x880;
	s19 =	simm.s32 $0x1080;
	s20 =	simm.s32 $0x1880  }
0x5: {  	s21 =	simm.s32 $0x2080;
	s22 =	simm.s32 $0x2880;
	s23 =	simm.s32 $0x3080  }
0x6: {  	s24 =	simm.s32 $0x3880;
	p0 =	por $0x0, $0x0;
	s28 =	simm.s32 $0x5080  }
0x7: {  	s30 =	simm.s32 $0x5880;
	s29 =	simm.s32 $0x1;
	s5 =	sand.u32 $0x1, s2  }
0x8: {  	s6 =	sshll.u32 s0, $0x1;
	s2 =	simm.s32 $0x0;
	s8 =	sadd.s32 $0x300, s3  }
0x9: {  	s9 =	sadd.s32 $0x400, s3;
	s6 =	sor.u32 s5, s6;
	s5 =	ssub.s32 $0x2, s5  }
0xa: {  	s10 =	sadd.s32 $0x500, s3;
	s11 =	sadd.s32 $0x600, s3;
	s25 =	sshrl.u32 s5, $0x1  }
0xb: {  	s12 =	sadd.s32 $0x700, s3;
	s13 =	sadd.s32 $0x800, s3;
	s17 =	ssub.s32 s5, s25  }
0xc: {  	s14 =	sadd.s32 $0x900, s3;
	s15 =	sadd.s32 $0xA00, s3;
	s26 =	smax.u32 s17, $0x1  }
0xd: {  	s16 =	sadd.s32 $0xB00, s3;
	s7 =	smul.u32 $0xB80, s6;
	p1 =	sne.s32 s26, $0x1  }
.Ltmp0:
0xe: {  	[smem:$0x7FF] =	sst s2;
	s1 =	sadd.s32 s1, s6;
	(pc) =	sbr.rel @!p1 .LBB2_3-.Ltmp0, $4  }
0xf: {  	_ =	strace $0x80000047;
	s6 =	sadd.s32 $0x100, s3;
	[dreg:$0x4] =	wrdreg s1  }
0x10: {  	v0 =	vlaneseq.u32;
	s25 =	simm.s32 $0x4080;
	s4 =	sadd.s32 s7, s4;
	s7 =	sadd.s32 $0x200, s3  }
0x11: {  	vm0 =	vmmov $0xff;
	v1 =	vshrl.u32 v0, $0x3;
	s17 =	simm.s32 $0x80;
	s1 =	rddreg [dreg:$0x4];
	s5 =	sadd.s32 $0xE00, s4  }
0x12: {  	vm1 =	vmmov $0xffff;
	v0 =	vand.u32 $0x7, v0;
	v1 =	vmul.u32 $0x8, v1;
	s4 =	simm.s32 $0x2;
	s31 =	sadd.s32 $0xFFFFFFFF, s26;
	s26 =	simm.s32 $0x4880  }
0x13: {  	[tilespmem:s2], [sflag:$0x2] =	stream.linear.gather [hbm4b:s1+s2], $0x8, $0x38;
	[tilespmem:$0x5C80] =	vst v63  }
0x14: {  	_ =	swait.ge [sflag:s4], $0x8  }
0x15: {  	[sflag:s4] =	ssyncset.done $0x0  }
0x16: {  	[sflag:s4] =	ssyncadd.s32 $0xFFFFFFF8  }
0x17: {  	v2 =	vld.msk [tilespmem:$0x0], $0xff;
	_ =	sdelay $0x4  }
0x18: {  	v3 =	vshrl.u32 v2, $0x3  }
0x19: {  	v3 =	vmul.u32 $0xB8, v3  }
0x1a: {  	v2 =	vand.u32 $0x7, v2  }
0x1b: {  	v2 =	vor.u32 v2, v3  }
0x1c: {  	v2 =	vperm.xlane v2, v0;
	_ =	sdelay $0x1  }
0x1d: {  	v2 =	vadd.s32 v1, v2;
	_ =	sdelay $0x4  }
0x1e: {  	[tilespmem:s17], [sflag:$0x1] =	stream.indirect_vreg.gather [hbm4b:s3+s2], $0x80, v2, vm1, $0xb8;
	[tilespmem:$0x5C80] =	vst v63  }
0x1f: {  	_ = 	snop  }
0x20: {  	[tilespmem:s18], [sflag:$0x1] =	stream.indirect_vreg.gather [hbm4b:s6+s2], $0x80, v2, vm1, $0xb8;
	[tilespmem:$0x5C80] =	vst v63  }
0x21: {  	_ = 	snop  }
0x22: {  	[tilespmem:s19], [sflag:$0x1] =	stream.indirect_vreg.gather [hbm4b:s7+s2], $0x80, v2, vm1, $0xb8;
	[tilespmem:$0x5C80] =	vst v63  }
0x23: {  	_ = 	snop  }
0x24: {  	[tilespmem:s20], [sflag:$0x1] =	stream.indirect_vreg.gather [hbm4b:s8+s2], $0x80, v2, vm1, $0xb8;
	[tilespmem:$0x5C80] =	vst v63  }
0x25: {  	_ = 	snop  }
0x26: {  	[tilespmem:s21], [sflag:$0x1] =	stream.indirect_vreg.gather [hbm4b:s9+s2], $0x80, v2, vm1, $0xb8;
	[tilespmem:$0x5C80] =	vst v63  }
0x27: {  	_ = 	snop  }
0x28: {  	[tilespmem:s22], [sflag:$0x1] =	stream.indirect_vreg.gather [hbm4b:s10+s2], $0x80, v2, vm1, $0xb8;
	[tilespmem:$0x5C80] =	vst v63  }
0x29: {  	_ = 	snop  }
0x2a: {  	[tilespmem:s23], [sflag:$0x1] =	stream.indirect_vreg.gather [hbm4b:s11+s2], $0x80, v2, vm1, $0xb8;
	[tilespmem:$0x5C80] =	vst v63  }
0x2b: {  	_ = 	snop  }
0x2c: {  	[tilespmem:s24], [sflag:$0x1] =	stream.indirect_vreg.gather [hbm4b:s12+s2], $0x80, v2, vm1, $0xb8;
	[tilespmem:$0x5C80] =	vst v63  }
0x2d: {  	_ = 	snop  }
0x2e: {  	[tilespmem:s25], [sflag:$0x1] =	stream.indirect_vreg.gather [hbm4b:s13+s2], $0x80, v2, vm1, $0xb8;
	[tilespmem:$0x5C80] =	vst v63  }
0x2f: {  	_ = 	snop  }
0x30: {  	[tilespmem:s26], [sflag:$0x1] =	stream.indirect_vreg.gather [hbm4b:s14+s2], $0x80, v2, vm1, $0xb8;
	[tilespmem:$0x5C80] =	vst v63  }
0x31: {  	_ = 	snop  }
0x32: {  	[tilespmem:s28], [sflag:$0x1] =	stream.indirect_vreg.gather [hbm4b:s15+s2], $0x80, v2, vm1, $0xb8;
	[tilespmem:$0x5C80] =	vst v63  }
0x33: {  	_ = 	snop  }
0x34: {  	[tilespmem:s30], [sflag:$0x1] =	stream.indirect_vreg.gather [hbm4b:s16+s2], $0x80, v2, vm0, $0xb8;
	[tilespmem:$0x5C80] =	vst v63  }
0x35: {  	p1 =	sne.s32 s31, $0x1;
	_ =	swait.ge [sflag:s29], $0x5C00  }
.Ltmp1:
0x36: {  	[sflag:s29] =	ssyncset.done $0x0;
	(pc) =	sbr.rel @!p1 .LBB2_3-.Ltmp1, $4  }
0x37: {  	[sflag:s29] =	ssyncadd.s32 $0xFFFFA400  }
0x38: {  	[hbm4b:s5+s2] =	stream.linear.scatter [tilespmem:s17], [sflag:$0x2], $0x5C00, $0x38;
	[tilespmem:$0x5C80] =	vst v63  }
0x39: {  	s31 =	sadd.s32 $0xFFFFFFFF, s31;
	_ =	swait.ge [sflag:s4], $0x5C00  }
0x3a: {  	p0 =	por $0x1, $0x1;
	s1 =	rddreg [dreg:$0x4];
	[sflag:s4] =	ssyncset.done $0x0  }
.LBB2_2:
0x3b: {  	[sflag:s4] =	ssyncadd.s32 $0xFFFFA400  }
0x3c: {  	[tilespmem:s2], [sflag:$0x2] =	stream.linear.gather [hbm4b:s1+s2], $0x8, $0x38;
	[tilespmem:$0x5C80] =	vst v63  }
0x3d: {  	_ =	swait.ge [sflag:s4], $0x8  }
0x3e: {  	[sflag:s4] =	ssyncset.done $0x0  }
0x3f: {  	[sflag:s4] =	ssyncadd.s32 $0xFFFFFFF8  }
0x40: {  	v2 =	vld.msk [tilespmem:$0x0], $0xff;
	_ =	sdelay $0x4  }
0x41: {  	v3 =	vshrl.u32 v2, $0x3  }
0x42: {  	v3 =	vmul.u32 $0xB8, v3  }
0x43: {  	v2 =	vand.u32 $0x7, v2  }
0x44: {  	v2 =	vor.u32 v2, v3  }
0x45: {  	v2 =	vperm.xlane v2, v0;
	_ =	sdelay $0x1  }
0x46: {  	v2 =	vadd.s32 v1, v2;
	_ =	sdelay $0x4  }
0x47: {  	[tilespmem:s17], [sflag:$0x1] =	stream.indirect_vreg.gather [hbm4b:s3+s2], $0x80, v2, vm1, $0xb8;
	[tilespmem:$0x5C80] =	vst v63  }
0x48: {  	_ = 	snop  }
0x49: {  	[tilespmem:s18], [sflag:$0x1] =	stream.indirect_vreg.gather [hbm4b:s6+s2], $0x80, v2, vm1, $0xb8;
	[tilespmem:$0x5C80] =	vst v63  }
0x4a: {  	_ = 	snop  }
0x4b: {  	[tilespmem:s19], [sflag:$0x1] =	stream.indirect_vreg.gather [hbm4b:s7+s2], $0x80, v2, vm1, $0xb8;
	[tilespmem:$0x5C80] =	vst v63  }
0x4c: {  	_ = 	snop  }
0x4d: {  	[tilespmem:s20], [sflag:$0x1] =	stream.indirect_vreg.gather [hbm4b:s8+s2], $0x80, v2, vm1, $0xb8;
	[tilespmem:$0x5C80] =	vst v63  }
0x4e: {  	_ = 	snop  }
0x4f: {  	[tilespmem:s21], [sflag:$0x1] =	stream.indirect_vreg.gather [hbm4b:s9+s2], $0x80, v2, vm1, $0xb8;
	[tilespmem:$0x5C80] =	vst v63  }
0x50: {  	_ = 	snop  }
0x51: {  	[tilespmem:s22], [sflag:$0x1] =	stream.indirect_vreg.gather [hbm4b:s10+s2], $0x80, v2, vm1, $0xb8;
	[tilespmem:$0x5C80] =	vst v63  }
0x52: {  	_ = 	snop  }
0x53: {  	[tilespmem:s23], [sflag:$0x1] =	stream.indirect_vreg.gather [hbm4b:s11+s2], $0x80, v2, vm1, $0xb8;
	[tilespmem:$0x5C80] =	vst v63  }
0x54: {  	_ = 	snop  }
0x55: {  	[tilespmem:s24], [sflag:$0x1] =	stream.indirect_vreg.gather [hbm4b:s12+s2], $0x80, v2, vm1, $0xb8;
	[tilespmem:$0x5C80] =	vst v63  }
0x56: {  	_ = 	snop  }
0x57: {  	[tilespmem:s25], [sflag:$0x1] =	stream.indirect_vreg.gather [hbm4b:s13+s2], $0x80, v2, vm1, $0xb8;
	[tilespmem:$0x5C80] =	vst v63  }
0x58: {  	_ = 	snop  }
0x59: {  	[tilespmem:s26], [sflag:$0x1] =	stream.indirect_vreg.gather [hbm4b:s14+s2], $0x80, v2, vm1, $0xb8;
	[tilespmem:$0x5C80] =	vst v63  }
0x5a: {  	_ = 	snop  }
0x5b: {  	[tilespmem:s28], [sflag:$0x1] =	stream.indirect_vreg.gather [hbm4b:s15+s2], $0x80, v2, vm1, $0xb8;
	[tilespmem:$0x5C80] =	vst v63  }
0x5c: {  	_ = 	snop  }
0x5d: {  	[tilespmem:s30], [sflag:$0x1] =	stream.indirect_vreg.gather [hbm4b:s16+s2], $0x80, v2, vm0, $0xb8;
	[tilespmem:$0x5C80] =	vst v63  }
0x5e: {  	p1 =	sne.s32 s31, $0x1;
	_ =	swait.ge [sflag:s29], $0x5C00  }
.Ltmp2:
0x5f: {  	[sflag:s29] =	ssyncset.done $0x0;
	(pc) =	sbr.rel @p1 .LBB2_2-.Ltmp2, $4  }
0x60: {  	[sflag:s29] =	ssyncadd.s32 $0xFFFFA400  }
0x61: {  	[hbm4b:s5+s2] =	stream.linear.scatter [tilespmem:s17], [sflag:$0x2], $0x5C00, $0x38;
	[tilespmem:$0x5C80] =	vst v63  }
0x62: {  	_ =	swait.ge [sflag:s4], $0x5C00  }
0x63: {  	s31 =	sadd.s32 $0xFFFFFFFF, s31;
	s1 =	rddreg [dreg:$0x4];
	[sflag:s4] =	ssyncset.done $0x0  }
.LBB2_3:
0x64: {  	[sflag:s4] =	ssyncadd.s32 @p0 $0xFFFFA400  }
0x65: {  	[tilespmem:s2], [sflag:$0x2] =	stream.linear.gather [hbm4b:s1+s2], $0x8, $0x38;
	[tilespmem:$0x5C80] =	vst v63  }
0x66: {  	_ =	swait.ge [sflag:s4], $0x8  }
0x67: {  	[sflag:s4] =	ssyncset.done $0x0  }
0x68: {  	[sflag:s4] =	ssyncadd.s32 $0xFFFFFFF8  }
0x69: {  	v2 =	vld.msk [tilespmem:$0x0], $0xff;
	_ =	sdelay $0x4  }
0x6a: {  	v3 =	vshrl.u32 v2, $0x3  }
0x6b: {  	v3 =	vmul.u32 $0xB8, v3  }
0x6c: {  	v2 =	vand.u32 $0x7, v2  }
0x6d: {  	v2 =	vor.u32 v2, v3  }
0x6e: {  	v0 =	vperm.xlane v2, v0;
	_ =	sdelay $0x1  }
0x6f: {  	v0 =	vadd.s32 v1, v0;
	_ =	sdelay $0x4  }
0x70: {  	[tilespmem:s17], [sflag:$0x1] =	stream.indirect_vreg.gather [hbm4b:s3+s2], $0x80, v0, vm1, $0xb8;
	[tilespmem:$0x5C80] =	vst v63  }
0x71: {  	_ = 	snop  }
0x72: {  	[tilespmem:s18], [sflag:$0x1] =	stream.indirect_vreg.gather [hbm4b:s6+s2], $0x80, v0, vm1, $0xb8;
	[tilespmem:$0x5C80] =	vst v63  }
0x73: {  	_ = 	snop  }
0x74: {  	[tilespmem:s19], [sflag:$0x1] =	stream.indirect_vreg.gather [hbm4b:s7+s2], $0x80, v0, vm1, $0xb8;
	[tilespmem:$0x5C80] =	vst v63  }
0x75: {  	_ = 	snop  }
0x76: {  	[tilespmem:s20], [sflag:$0x1] =	stream.indirect_vreg.gather [hbm4b:s8+s2], $0x80, v0, vm1, $0xb8;
	[tilespmem:$0x5C80] =	vst v63  }
0x77: {  	_ = 	snop  }
0x78: {  	[tilespmem:s21], [sflag:$0x1] =	stream.indirect_vreg.gather [hbm4b:s9+s2], $0x80, v0, vm1, $0xb8;
	[tilespmem:$0x5C80] =	vst v63  }
0x79: {  	_ = 	snop  }
0x7a: {  	[tilespmem:s22], [sflag:$0x1] =	stream.indirect_vreg.gather [hbm4b:s10+s2], $0x80, v0, vm1, $0xb8;
	[tilespmem:$0x5C80] =	vst v63  }
0x7b: {  	_ = 	snop  }
0x7c: {  	[tilespmem:s23], [sflag:$0x1] =	stream.indirect_vreg.gather [hbm4b:s11+s2], $0x80, v0, vm1, $0xb8;
	[tilespmem:$0x5C80] =	vst v63  }
0x7d: {  	_ = 	snop  }
0x7e: {  	[tilespmem:s24], [sflag:$0x1] =	stream.indirect_vreg.gather [hbm4b:s12+s2], $0x80, v0, vm1, $0xb8;
	[tilespmem:$0x5C80] =	vst v63  }
0x7f: {  	_ = 	snop  }
0x80: {  	[tilespmem:s25], [sflag:$0x1] =	stream.indirect_vreg.gather [hbm4b:s13+s2], $0x80, v0, vm1, $0xb8;
	[tilespmem:$0x5C80] =	vst v63  }
0x81: {  	_ = 	snop  }
0x82: {  	[tilespmem:s26], [sflag:$0x1] =	stream.indirect_vreg.gather [hbm4b:s14+s2], $0x80, v0, vm1, $0xb8;
	[tilespmem:$0x5C80] =	vst v63  }
0x83: {  	_ = 	snop  }
0x84: {  	[tilespmem:s28], [sflag:$0x1] =	stream.indirect_vreg.gather [hbm4b:s15+s2], $0x80, v0, vm1, $0xb8;
	[tilespmem:$0x5C80] =	vst v63  }
0x85: {  	_ = 	snop  }
0x86: {  	[tilespmem:s30], [sflag:$0x1] =	stream.indirect_vreg.gather [hbm4b:s16+s2], $0x80, v0, vm0, $0xb8;
	[tilespmem:$0x5C80] =	vst v63  }
0x87: {  	_ =	swait.ge [sflag:s29], $0x5C00  }
0x88: {  	[sflag:s29] =	ssyncset.done $0x0  }
0x89: {  	[sflag:s29] =	ssyncadd.s32 $0xFFFFA400  }
0x8a: {  	[hbm4b:s5+s2] =	stream.linear.scatter [tilespmem:s17], [sflag:$0x2], $0x5C00, $0x38;
	[tilespmem:$0x5C80] =	vst v63  }
0x8b: {  	_ =	swait.ge [sflag:s4], $0x5C00  }
0x8c: {  	[sflag:s4] =	ssyncset.done $0x0  }
0x8d: {  	[sflag:s4] =	ssyncadd.s32 $0xFFFFA400  }
0x8e: {  	_ =	sfence.sel $0x180000  }
0x8f: {  	[bflag:$0x0] =	sbarrier.arrive $0xFFFF  }
0x90: {  	_ =	strace $0x90000047  }
0x91: {  	[bflag:$0x2] =	sbarrier.arrive $0xFFFF  }
0x92: {  	p0 =	sne.s32 s0, $0x0;
	s0 =	rddreg [dreg:$0x3]  }
0x93: {  	s0 =	sadd.s32 @!p0 $0x100000, s0  }
0x94: {  	[sflag:s0] =	ssyncadd.tile.s32 @!p0 $0x1;
	_ =	shalt  }
.Lfunc_end2:
_tile_overlayer_lowered:
.L_overlay_start_2:
0x95: {  	(tag) =	ssettag $0x2  }
0x96: {  	s0 =	rddreg [dreg:$0x0];
	s2 =	stileid.u32  }
0x97: {  	s1 =	rddreg [dreg:$0x1];
	p0 =	sne.s32 s2, $0x0  }
0x98: {  	s3 =	rddreg [dreg:$0x2];
	[bflag:$0x3] =	sbarrier.arrive $0xFFFF;
	s2 =	simm.s32 @!p0 $0x1C02  }
0x99: {  	[timem:s3], [sflag:s2] =	dma.local @!p0 [hbm:s0], s1  }
0x9a: {  	s0 =	simm.s32 @!p0 $0x2  }
0x9b: {  	_ =	swait.ge @!p0 [sflag:s0], s1  }
0x9c: {  	s1 =	ssub.s32 @!p0 $0x0, s1;
	[sflag:s0] =	ssyncset.done @!p0 $0x0  }
0x9d: {  	[sflag:s0] =	ssyncadd.s32 @!p0 s1  }
0x9e: {  	[bflag:$0x3] =	sbarrier.arrive $0xFFFF  }
0x9f: {  	_ =	shalt  }

</sc_bundles>
